<compile_context>
chip_gen: v7x
topology: tpu7x:2x2x1
jax: 0.10.2.dev20260603
libtpu: 0.0.44.dev20260713+nightly
codegen_flags: <defaults>
</compile_context>

<pallas_src>
import functools

import jax
import jax.numpy as jnp
from jax import lax
from jax.experimental import pallas as pl
from jax.experimental.pallas import tpu as pltpu
from jax.experimental.pallas import tpu_sc as plsc

VOCAB = 1000000
EMB_DIM = 64
N_GARMENT = 21
N_INDEX = 5
BATCH = 16384

NROWS = VOCAB + 1
BLKC = 32768
QW = BLKC // 4
NBLK = -(-NROWS // BLKC)
NPACK = NBLK * QW
PCH = 2048

NC, NS = 2, 16
NW = NC * NS
BPW = BATCH // NW
CHUNK = 128
NCHUNK = BPW // CHUNK

G_PAD = 32
I_PAD = 8


def _pack_body(x_ref, eye_ref, o_ref):
    eye = eye_ref[...].astype(jnp.bfloat16)
    dn = (((0,), (0,)), ((), ()))

    def quarter(q, t):
        a = x_ref[:, pl.ds(q * QW + t * PCH, PCH)].astype(jnp.bfloat16)
        at = lax.dot_general(a, eye, dn, preferred_element_type=jnp.float32)
        return lax.bitcast_convert_type(at, jnp.uint32)

    for t in range(QW // PCH):
        u0, u1, u2, u3 = (quarter(q, t) for q in range(4))
        w01 = (u0 >> 16) | u1
        w23 = (u2 >> 16) | u3
        o_ref[pl.ds(t * PCH, PCH), :] = jnp.concatenate([w01, w23], axis=1)


_sc_mesh = plsc.VectorSubcoreMesh(core_axis_name="c", subcore_axis_name="s")


@functools.partial(
    pl.kernel,
    out_type=jax.ShapeDtypeStruct((NW, NCHUNK, CHUNK, 2 * EMB_DIM),
                                  jnp.uint32),
    mesh=_sc_mesh,
    scratch_types=[
        pltpu.VMEM((NCHUNK, CHUNK), jnp.int32),
        pltpu.VMEM((NCHUNK, CHUNK, 2 * EMB_DIM), jnp.uint32),
        pltpu.SemaphoreType.DMA,
    ],
)
def _sc_gather(table_hbm, idx_hbm, out_hbm, idx_v, rows_v, sem):
    wid = lax.axis_index("s") * NC + lax.axis_index("c")
    pltpu.sync_copy(idx_hbm.at[wid], idx_v)
    copies = []
    for j in range(NCHUNK):
        copies.append(
            pltpu.async_copy(table_hbm.at[idx_v.at[j]], rows_v.at[j], sem)
        )
    for c in copies:
        c.wait()
    pltpu.sync_copy(rows_v, out_hbm.at[wid])


def _tc_mlp_body(x_ref, q_ref, g_ref, i_ref, w1s_ref, w1g_ref, w1i_ref,
                 b1_ref, w2_ref, b2_ref, o_ref):
    x = x_ref[...]
    qsel = q_ref[...]
    gid = g_ref[...]
    iid = i_ref[...]
    blk = x.shape[0]
    lo = lax.bitcast_convert_type(x << 16, jnp.float32)
    hi = lax.bitcast_convert_type(x & jnp.uint32(0xFFFF0000), jnp.float32)
    v = jnp.where((qsel & 1) == 1, hi, lo)
    hsel = qsel >> 1
    lane = lax.broadcasted_iota(jnp.int32, (blk, 2 * EMB_DIM), 1)
    m = ((lane >= EMB_DIM).astype(jnp.int32) == hsel).astype(jnp.float32)
    goh = (gid == lax.broadcasted_iota(jnp.int32, (blk, G_PAD), 1)
           ).astype(jnp.float32)
    ioh = (iid == lax.broadcasted_iota(jnp.int32, (blk, I_PAD), 1)
           ).astype(jnp.float32)
    h = jnp.dot(v * m, w1s_ref[...], preferred_element_type=jnp.float32)
    h += jnp.dot(goh, w1g_ref[...], preferred_element_type=jnp.float32)
    h += jnp.dot(ioh, w1i_ref[...], preferred_element_type=jnp.float32)
    h = jnp.maximum(h + b1_ref[...], 0.0)
    o_ref[...] = jnp.dot(h, w2_ref[...],
                         preferred_element_type=jnp.float32) + b2_ref[...]


def kernel(article_id, garment_group_name, index_group_name, emb_table,
           W1, b1, W2, b2):
    packed = pl.pallas_call(
        _pack_body,
        grid=(NBLK,),
        in_specs=[
            pl.BlockSpec((EMB_DIM, BLKC), lambda i: (0, i)),
            pl.BlockSpec((EMB_DIM, EMB_DIM), lambda i: (0, 0)),
        ],
        out_specs=pl.BlockSpec((QW, 2 * EMB_DIM), lambda i: (i, 0)),
        out_shape=jax.ShapeDtypeStruct((NPACK, 2 * EMB_DIM), jnp.uint32),
    )(emb_table.T, jnp.eye(EMB_DIM, dtype=jnp.float32))

    ids = article_id.astype(jnp.int32)
    row = (ids // BLKC) * QW + ids % QW
    qsel = (ids // QW) % 4
    idx = row.reshape(NW, NCHUNK, CHUNK)
    quads = _sc_gather(packed, idx).reshape(BATCH, 2 * EMB_DIM)

    w1a = W1[:EMB_DIM]
    w1s = jnp.concatenate([w1a, w1a], axis=0)
    w1g = jnp.zeros((G_PAD, EMB_DIM), jnp.float32).at[:N_GARMENT].set(
        W1[EMB_DIM:EMB_DIM + N_GARMENT])
    w1i = jnp.zeros((I_PAD, EMB_DIM), jnp.float32).at[:N_INDEX].set(
        W1[EMB_DIM + N_GARMENT:])
    qsel2 = qsel.reshape(BATCH, 1)
    gid = garment_group_name.astype(jnp.int32).reshape(BATCH, 1)
    iid = index_group_name.astype(jnp.int32).reshape(BATCH, 1)

    BLK = 2048
    out = pl.pallas_call(
        _tc_mlp_body,
        grid=(BATCH // BLK,),
        in_specs=[
            pl.BlockSpec((BLK, 2 * EMB_DIM), lambda i: (i, 0)),
            pl.BlockSpec((BLK, 1), lambda i: (i, 0)),
            pl.BlockSpec((BLK, 1), lambda i: (i, 0)),
            pl.BlockSpec((BLK, 1), lambda i: (i, 0)),
            pl.BlockSpec((2 * EMB_DIM, EMB_DIM), lambda i: (0, 0)),
            pl.BlockSpec((G_PAD, EMB_DIM), lambda i: (0, 0)),
            pl.BlockSpec((I_PAD, EMB_DIM), lambda i: (0, 0)),
            pl.BlockSpec((1, EMB_DIM), lambda i: (0, 0)),
            pl.BlockSpec((EMB_DIM, EMB_DIM), lambda i: (0, 0)),
            pl.BlockSpec((1, EMB_DIM), lambda i: (0, 0)),
        ],
        out_specs=pl.BlockSpec((BLK, EMB_DIM), lambda i: (i, 0)),
        out_shape=jax.ShapeDtypeStruct((BATCH, EMB_DIM), jnp.float32),
    )(quads, qsel2, gid, iid, w1s, w1g, w1i, b1.reshape(1, EMB_DIM), W2,
      b2.reshape(1, EMB_DIM))
    return out

# --- scband reference (transcript-rebuilt; emitter-appended) ---
"""Pipeline reference for scband-item-tower-39084202394245 (READ-ONLY COPY).

The authoritative reference and input builder live on the scoring server;
editing this copy changes nothing except your own understanding.
"""

import jax, jax.numpy as jnp
import numpy as np

VOCAB = 1000000
EMB_DIM = 64
N_GARMENT = 21
N_INDEX = 5
BATCH = 16384


def setup_inputs(seed: int = 0) -> dict:
    key = jax.random.key(seed)
    k1, k2, k3, k4, k5, k6, k7, k8 = jax.random.split(key, 8)
    article_id = jax.random.randint(k1, (BATCH,), 0, VOCAB + 1)
    garment_group_name = jax.random.randint(k2, (BATCH,), 0, N_GARMENT + 1)
    index_group_name = jax.random.randint(k3, (BATCH,), 0, N_INDEX + 1)
    emb_table = jax.random.normal(k4, (VOCAB + 1, EMB_DIM), dtype=jnp.float32) * 0.05
    concat_dim = EMB_DIM + N_GARMENT + N_INDEX
    W1 = jax.random.normal(k5, (concat_dim, EMB_DIM), dtype=jnp.float32) * (1.0 / np.sqrt(concat_dim))
    b1 = jnp.zeros((EMB_DIM,), dtype=jnp.float32)
    W2 = jax.random.normal(k6, (EMB_DIM, EMB_DIM), dtype=jnp.float32) * (1.0 / np.sqrt(EMB_DIM))
    b2 = jnp.zeros((EMB_DIM,), dtype=jnp.float32)
    return {
        "article_id": article_id,
        "garment_group_name": garment_group_name,
        "index_group_name": index_group_name,
        "emb_table": emb_table,
        "W1": W1,
        "b1": b1,
        "W2": W2,
        "b2": b2,
    }


def reference(article_id, garment_group_name, index_group_name, emb_table, W1, b1, W2, b2):
    # item_embedding: StringLookup (modeled as precomputed integer ids) + Embedding
    item_emb = jnp.take(emb_table, article_id, axis=0)
    # one-hot categorical features (ids out of depth produce zero rows, matching tf.one_hot)
    garment_oh = jax.nn.one_hot(garment_group_name, N_GARMENT, dtype=jnp.float32)
    index_oh = jax.nn.one_hot(index_group_name, N_INDEX, dtype=jnp.float32)
    x = jnp.concatenate([item_emb, garment_oh, index_oh], axis=1)
    h = jax.nn.relu(x @ W1 + b1)
    out = h @ W2 + b2
    return out

if __name__ == "__main__":
    import jax
    _d = setup_inputs()
    print(jax.jit(kernel)(*tuple(_d.values())))

</pallas_src>

<mosaic_0001>
#map = affine_map<(d0, d1) -> (0, 0)>
#map1 = affine_map<(d0, d1) -> (0, 0, 0)>
#map2 = affine_map<(d0, d1) -> (0, 0, 0, 0)>
module attributes {stable_mosaic.version = 14 : i64} {
  func.func @_sc_gather(%arg0: i32, %arg1: i32, %arg2: memref<253952x128xi32, #tpu.memory_space<hbm>>, %arg3: memref<32x4x128xi32, #tpu.memory_space<hbm>>, %arg4: memref<32x4x128x128xi32, #tpu.memory_space<hbm>>, %arg5: memref<4x128xi32, #tpu.memory_space<vmem>>, %arg6: memref<4x128x128xi32, #tpu.memory_space<vmem>>, %arg7: memref<!tpu.dma_semaphore, #tpu.memory_space<semaphore_mem>>) attributes {dimension_semantics = [#tpu.dimension_semantics<core_parallel>, #tpu.dimension_semantics<subcore_parallel>], iteration_bounds = array<i64: 2, 16>, scalar_prefetch = 0 : i64, scratch_operands = 3 : i64, tpu.core_type = #tpu.core_type<sc_vector_subcore>, window_params = [{transform_indices = #map}, {transform_indices = #map1}, {transform_indices = #map2}]} {
    %mul3A = arith.constant 2 : i32
    %mul3A_0 = arith.muli %arg1, %mul3A : i32
    %add3A = arith.addi %mul3A_0, %arg0 : i32
    "tpu.region"() ({
      %run_scoped3A = tpu.sem_alloc : memref<!tpu.dma_semaphore, #tpu.memory_space<semaphore_mem>>
      %dma_start3A_95 = arith.constant 0 : i32
      %dma_start3A_96 = arith.constant 0 : i32
      %dma_start3A_97 = tpu.memref_slice %arg3[%add3A, %dma_start3A_95, %dma_start3A_96] : memref<32x4x128xi32, #tpu.memory_space<hbm>> -> memref<1x4x128xi32, #tpu.memory_space<hbm>>
      %dma_start3A_98 = tpu.memref_squeeze %dma_start3A_97 : memref<1x4x128xi32, #tpu.memory_space<hbm>> -> memref<4x128xi32, #tpu.memory_space<hbm>>
      %dma_start3A_99 = arith.constant 0 : i32
      %dma_start3A_100 = arith.constant 0 : i32
      %dma_start3A_101 = tpu.memref_slice %arg3[%add3A, %dma_start3A_99, %dma_start3A_100] : memref<32x4x128xi32, #tpu.memory_space<hbm>> -> memref<1x4x128xi32, #tpu.memory_space<hbm>>
      %dma_start3A_102 = tpu.memref_squeeze %dma_start3A_101 : memref<1x4x128xi32, #tpu.memory_space<hbm>> -> memref<4x128xi32, #tpu.memory_space<hbm>>
      tpu.enqueue_dma source(%dma_start3A_102 : memref<4x128xi32, #tpu.memory_space<hbm>>) target(%arg5 : memref<4x128xi32, #tpu.memory_space<vmem>>) target_semaphore(%run_scoped3A : memref<!tpu.dma_semaphore, #tpu.memory_space<semaphore_mem>>)
      %dma_wait3A_103 = arith.constant 0 : i32
      %dma_wait3A_104 = arith.constant 0 : i32
      %dma_wait3A_105 = tpu.memref_slice %arg3[%add3A, %dma_wait3A_103, %dma_wait3A_104] : memref<32x4x128xi32, #tpu.memory_space<hbm>> -> memref<1x4x128xi32, #tpu.memory_space<hbm>>
      %dma_wait3A_106 = tpu.memref_squeeze %dma_wait3A_105 : memref<1x4x128xi32, #tpu.memory_space<hbm>> -> memref<4x128xi32, #tpu.memory_space<hbm>>
      %dma_wait3A_107 = arith.constant 0 : i32
      %dma_wait3A_108 = arith.constant 0 : i32
      %dma_wait3A_109 = tpu.memref_slice %arg3[%add3A, %dma_wait3A_107, %dma_wait3A_108] : memref<32x4x128xi32, #tpu.memory_space<hbm>> -> memref<1x4x128xi32, #tpu.memory_space<hbm>>
      %dma_wait3A_110 = tpu.memref_squeeze %dma_wait3A_109 : memref<1x4x128xi32, #tpu.memory_space<hbm>> -> memref<4x128xi32, #tpu.memory_space<hbm>>
      tpu.wait_dma2 semaphore(%run_scoped3A : memref<!tpu.dma_semaphore, #tpu.memory_space<semaphore_mem>>) src(%dma_wait3A_110 : memref<4x128xi32, #tpu.memory_space<hbm>>) dst(%arg5 : memref<4x128xi32, #tpu.memory_space<vmem>>)
      tpu.yield
    }) : () -> ()
    %dma_start3A = arith.constant 0 : i32
    %dma_start3A_1 = arith.constant 0 : i32
    %dma_start3A_2 = arith.constant 0 : i32
    %dma_start3A_3 = arith.constant 0 : i32
    %dma_start3A_4 = tpu.memref_slice %arg6[%dma_start3A_1, %dma_start3A_2, %dma_start3A_3] : memref<4x128x128xi32, #tpu.memory_space<vmem>> -> memref<1x128x128xi32, #tpu.memory_space<vmem>>
    %dma_start3A_5 = tpu.memref_squeeze %dma_start3A_4 : memref<1x128x128xi32, #tpu.memory_space<vmem>> -> memref<128x128xi32, #tpu.memory_space<vmem>>
    %dma_start3A_6 = arith.constant 0 : i32
    %dma_start3A_7 = tpu.memref_slice %arg5[%dma_start3A, %dma_start3A_6] : memref<4x128xi32, #tpu.memory_space<vmem>> -> memref<1x128xi32, #tpu.memory_space<vmem>>
    %dma_start3A_8 = tpu.memref_squeeze %dma_start3A_7 : memref<1x128xi32, #tpu.memory_space<vmem>> -> memref<128xi32, #tpu.memory_space<vmem>>
    %dma_start3A_9 = arith.constant 0 : i32
    %dma_start3A_10 = arith.constant 0 : i32
    %dma_start3A_11 = tpu.memref_slice %arg2[%dma_start3A_9, %dma_start3A_10] : memref<253952x128xi32, #tpu.memory_space<hbm>> -> memref<253952x128xi32, #tpu.memory_space<hbm>>
    tpu.enqueue_indirect_dma source(%dma_start3A_11 : memref<253952x128xi32, #tpu.memory_space<hbm>>) target(%dma_start3A_5 : memref<128x128xi32, #tpu.memory_space<vmem>>) offsets(%dma_start3A_8 : memref<128xi32, #tpu.memory_space<vmem>>) semaphore(%arg7 : memref<!tpu.dma_semaphore, #tpu.memory_space<semaphore_mem>>)
    %dma_start3A_12 = arith.constant 1 : i32
    %dma_start3A_13 = arith.constant 1 : i32
    %dma_start3A_14 = arith.constant 0 : i32
    %dma_start3A_15 = arith.constant 0 : i32
    %dma_start3A_16 = tpu.memref_slice %arg6[%dma_start3A_13, %dma_start3A_14, %dma_start3A_15] : memref<4x128x128xi32, #tpu.memory_space<vmem>> -> memref<1x128x128xi32, #tpu.memory_space<vmem>>
    %dma_start3A_17 = tpu.memref_squeeze %dma_start3A_16 : memref<1x128x128xi32, #tpu.memory_space<vmem>> -> memref<128x128xi32, #tpu.memory_space<vmem>>
    %dma_start3A_18 = arith.constant 0 : i32
    %dma_start3A_19 = tpu.memref_slice %arg5[%dma_start3A_12, %dma_start3A_18] : memref<4x128xi32, #tpu.memory_space<vmem>> -> memref<1x128xi32, #tpu.memory_space<vmem>>
    %dma_start3A_20 = tpu.memref_squeeze %dma_start3A_19 : memref<1x128xi32, #tpu.memory_space<vmem>> -> memref<128xi32, #tpu.memory_space<vmem>>
    %dma_start3A_21 = arith.constant 0 : i32
    %dma_start3A_22 = arith.constant 0 : i32
    %dma_start3A_23 = tpu.memref_slice %arg2[%dma_start3A_21, %dma_start3A_22] : memref<253952x128xi32, #tpu.memory_space<hbm>> -> memref<253952x128xi32, #tpu.memory_space<hbm>>
    tpu.enqueue_indirect_dma source(%dma_start3A_23 : memref<253952x128xi32, #tpu.memory_space<hbm>>) target(%dma_start3A_17 : memref<128x128xi32, #tpu.memory_space<vmem>>) offsets(%dma_start3A_20 : memref<128xi32, #tpu.memory_space<vmem>>) semaphore(%arg7 : memref<!tpu.dma_semaphore, #tpu.memory_space<semaphore_mem>>)
    %dma_start3A_24 = arith.constant 2 : i32
    %dma_start3A_25 = arith.constant 2 : i32
    %dma_start3A_26 = arith.constant 0 : i32
    %dma_start3A_27 = arith.constant 0 : i32
    %dma_start3A_28 = tpu.memref_slice %arg6[%dma_start3A_25, %dma_start3A_26, %dma_start3A_27] : memref<4x128x128xi32, #tpu.memory_space<vmem>> -> memref<1x128x128xi32, #tpu.memory_space<vmem>>
    %dma_start3A_29 = tpu.memref_squeeze %dma_start3A_28 : memref<1x128x128xi32, #tpu.memory_space<vmem>> -> memref<128x128xi32, #tpu.memory_space<vmem>>
    %dma_start3A_30 = arith.constant 0 : i32
    %dma_start3A_31 = tpu.memref_slice %arg5[%dma_start3A_24, %dma_start3A_30] : memref<4x128xi32, #tpu.memory_space<vmem>> -> memref<1x128xi32, #tpu.memory_space<vmem>>
    %dma_start3A_32 = tpu.memref_squeeze %dma_start3A_31 : memref<1x128xi32, #tpu.memory_space<vmem>> -> memref<128xi32, #tpu.memory_space<vmem>>
    %dma_start3A_33 = arith.constant 0 : i32
    %dma_start3A_34 = arith.constant 0 : i32
    %dma_start3A_35 = tpu.memref_slice %arg2[%dma_start3A_33, %dma_start3A_34] : memref<253952x128xi32, #tpu.memory_space<hbm>> -> memref<253952x128xi32, #tpu.memory_space<hbm>>
    tpu.enqueue_indirect_dma source(%dma_start3A_35 : memref<253952x128xi32, #tpu.memory_space<hbm>>) target(%dma_start3A_29 : memref<128x128xi32, #tpu.memory_space<vmem>>) offsets(%dma_start3A_32 : memref<128xi32, #tpu.memory_space<vmem>>) semaphore(%arg7 : memref<!tpu.dma_semaphore, #tpu.memory_space<semaphore_mem>>)
    %dma_start3A_36 = arith.constant 3 : i32
    %dma_start3A_37 = arith.constant 3 : i32
    %dma_start3A_38 = arith.constant 0 : i32
    %dma_start3A_39 = arith.constant 0 : i32
    %dma_start3A_40 = tpu.memref_slice %arg6[%dma_start3A_37, %dma_start3A_38, %dma_start3A_39] : memref<4x128x128xi32, #tpu.memory_space<vmem>> -> memref<1x128x128xi32, #tpu.memory_space<vmem>>
    %dma_start3A_41 = tpu.memref_squeeze %dma_start3A_40 : memref<1x128x128xi32, #tpu.memory_space<vmem>> -> memref<128x128xi32, #tpu.memory_space<vmem>>
    %dma_start3A_42 = arith.constant 0 : i32
    %dma_start3A_43 = tpu.memref_slice %arg5[%dma_start3A_36, %dma_start3A_42] : memref<4x128xi32, #tpu.memory_space<vmem>> -> memref<1x128xi32, #tpu.memory_space<vmem>>
    %dma_start3A_44 = tpu.memref_squeeze %dma_start3A_43 : memref<1x128xi32, #tpu.memory_space<vmem>> -> memref<128xi32, #tpu.memory_space<vmem>>
    %dma_start3A_45 = arith.constant 0 : i32
    %dma_start3A_46 = arith.constant 0 : i32
    %dma_start3A_47 = tpu.memref_slice %arg2[%dma_start3A_45, %dma_start3A_46] : memref<253952x128xi32, #tpu.memory_space<hbm>> -> memref<253952x128xi32, #tpu.memory_space<hbm>>
    tpu.enqueue_indirect_dma source(%dma_start3A_47 : memref<253952x128xi32, #tpu.memory_space<hbm>>) target(%dma_start3A_41 : memref<128x128xi32, #tpu.memory_space<vmem>>) offsets(%dma_start3A_44 : memref<128xi32, #tpu.memory_space<vmem>>) semaphore(%arg7 : memref<!tpu.dma_semaphore, #tpu.memory_space<semaphore_mem>>)
    %dma_wait3A = arith.constant 0 : i32
    %dma_wait3A_48 = arith.constant 0 : i32
    %dma_wait3A_49 = arith.constant 0 : i32
    %dma_wait3A_50 = arith.constant 0 : i32
    %dma_wait3A_51 = tpu.memref_slice %arg6[%dma_wait3A_48, %dma_wait3A_49, %dma_wait3A_50] : memref<4x128x128xi32, #tpu.memory_space<vmem>> -> memref<1x128x128xi32, #tpu.memory_space<vmem>>
    %dma_wait3A_52 = tpu.memref_squeeze %dma_wait3A_51 : memref<1x128x128xi32, #tpu.memory_space<vmem>> -> memref<128x128xi32, #tpu.memory_space<vmem>>
    %dma_wait3A_53 = arith.constant 0 : i32
    %dma_wait3A_54 = tpu.memref_slice %arg5[%dma_wait3A, %dma_wait3A_53] : memref<4x128xi32, #tpu.memory_space<vmem>> -> memref<1x128xi32, #tpu.memory_space<vmem>>
    %dma_wait3A_55 = tpu.memref_squeeze %dma_wait3A_54 : memref<1x128xi32, #tpu.memory_space<vmem>> -> memref<128xi32, #tpu.memory_space<vmem>>
    %dma_wait3A_56 = arith.constant 0 : i32
    %dma_wait3A_57 = arith.constant 0 : i32
    %dma_wait3A_58 = tpu.memref_slice %arg2[%dma_wait3A_56, %dma_wait3A_57] : memref<253952x128xi32, #tpu.memory_space<hbm>> -> memref<253952x128xi32, #tpu.memory_space<hbm>>
    tpu.wait_indirect_dma semaphore(%arg7 : memref<!tpu.dma_semaphore, #tpu.memory_space<semaphore_mem>>) src(%dma_wait3A_58 : memref<253952x128xi32, #tpu.memory_space<hbm>>) dst(%dma_wait3A_52 : memref<128x128xi32, #tpu.memory_space<vmem>>)
    %dma_wait3A_59 = arith.constant 1 : i32
    %dma_wait3A_60 = arith.constant 1 : i32
    %dma_wait3A_61 = arith.constant 0 : i32
    %dma_wait3A_62 = arith.constant 0 : i32
    %dma_wait3A_63 = tpu.memref_slice %arg6[%dma_wait3A_60, %dma_wait3A_61, %dma_wait3A_62] : memref<4x128x128xi32, #tpu.memory_space<vmem>> -> memref<1x128x128xi32, #tpu.memory_space<vmem>>
    %dma_wait3A_64 = tpu.memref_squeeze %dma_wait3A_63 : memref<1x128x128xi32, #tpu.memory_space<vmem>> -> memref<128x128xi32, #tpu.memory_space<vmem>>
    %dma_wait3A_65 = arith.constant 0 : i32
    %dma_wait3A_66 = tpu.memref_slice %arg5[%dma_wait3A_59, %dma_wait3A_65] : memref<4x128xi32, #tpu.memory_space<vmem>> -> memref<1x128xi32, #tpu.memory_space<vmem>>
    %dma_wait3A_67 = tpu.memref_squeeze %dma_wait3A_66 : memref<1x128xi32, #tpu.memory_space<vmem>> -> memref<128xi32, #tpu.memory_space<vmem>>
    %dma_wait3A_68 = arith.constant 0 : i32
    %dma_wait3A_69 = arith.constant 0 : i32
    %dma_wait3A_70 = tpu.memref_slice %arg2[%dma_wait3A_68, %dma_wait3A_69] : memref<253952x128xi32, #tpu.memory_space<hbm>> -> memref<253952x128xi32, #tpu.memory_space<hbm>>
    tpu.wait_indirect_dma semaphore(%arg7 : memref<!tpu.dma_semaphore, #tpu.memory_space<semaphore_mem>>) src(%dma_wait3A_70 : memref<253952x128xi32, #tpu.memory_space<hbm>>) dst(%dma_wait3A_64 : memref<128x128xi32, #tpu.memory_space<vmem>>)
    %dma_wait3A_71 = arith.constant 2 : i32
    %dma_wait3A_72 = arith.constant 2 : i32
    %dma_wait3A_73 = arith.constant 0 : i32
    %dma_wait3A_74 = arith.constant 0 : i32
    %dma_wait3A_75 = tpu.memref_slice %arg6[%dma_wait3A_72, %dma_wait3A_73, %dma_wait3A_74] : memref<4x128x128xi32, #tpu.memory_space<vmem>> -> memref<1x128x128xi32, #tpu.memory_space<vmem>>
    %dma_wait3A_76 = tpu.memref_squeeze %dma_wait3A_75 : memref<1x128x128xi32, #tpu.memory_space<vmem>> -> memref<128x128xi32, #tpu.memory_space<vmem>>
    %dma_wait3A_77 = arith.constant 0 : i32
    %dma_wait3A_78 = tpu.memref_slice %arg5[%dma_wait3A_71, %dma_wait3A_77] : memref<4x128xi32, #tpu.memory_space<vmem>> -> memref<1x128xi32, #tpu.memory_space<vmem>>
    %dma_wait3A_79 = tpu.memref_squeeze %dma_wait3A_78 : memref<1x128xi32, #tpu.memory_space<vmem>> -> memref<128xi32, #tpu.memory_space<vmem>>
    %dma_wait3A_80 = arith.constant 0 : i32
    %dma_wait3A_81 = arith.constant 0 : i32
    %dma_wait3A_82 = tpu.memref_slice %arg2[%dma_wait3A_80, %dma_wait3A_81] : memref<253952x128xi32, #tpu.memory_space<hbm>> -> memref<253952x128xi32, #tpu.memory_space<hbm>>
    tpu.wait_indirect_dma semaphore(%arg7 : memref<!tpu.dma_semaphore, #tpu.memory_space<semaphore_mem>>) src(%dma_wait3A_82 : memref<253952x128xi32, #tpu.memory_space<hbm>>) dst(%dma_wait3A_76 : memref<128x128xi32, #tpu.memory_space<vmem>>)
    %dma_wait3A_83 = arith.constant 3 : i32
    %dma_wait3A_84 = arith.constant 3 : i32
    %dma_wait3A_85 = arith.constant 0 : i32
    %dma_wait3A_86 = arith.constant 0 : i32
    %dma_wait3A_87 = tpu.memref_slice %arg6[%dma_wait3A_84, %dma_wait3A_85, %dma_wait3A_86] : memref<4x128x128xi32, #tpu.memory_space<vmem>> -> memref<1x128x128xi32, #tpu.memory_space<vmem>>
    %dma_wait3A_88 = tpu.memref_squeeze %dma_wait3A_87 : memref<1x128x128xi32, #tpu.memory_space<vmem>> -> memref<128x128xi32, #tpu.memory_space<vmem>>
    %dma_wait3A_89 = arith.constant 0 : i32
    %dma_wait3A_90 = tpu.memref_slice %arg5[%dma_wait3A_83, %dma_wait3A_89] : memref<4x128xi32, #tpu.memory_space<vmem>> -> memref<1x128xi32, #tpu.memory_space<vmem>>
    %dma_wait3A_91 = tpu.memref_squeeze %dma_wait3A_90 : memref<1x128xi32, #tpu.memory_space<vmem>> -> memref<128xi32, #tpu.memory_space<vmem>>
    %dma_wait3A_92 = arith.constant 0 : i32
    %dma_wait3A_93 = arith.constant 0 : i32
    %dma_wait3A_94 = tpu.memref_slice %arg2[%dma_wait3A_92, %dma_wait3A_93] : memref<253952x128xi32, #tpu.memory_space<hbm>> -> memref<253952x128xi32, #tpu.memory_space<hbm>>
    tpu.wait_indirect_dma semaphore(%arg7 : memref<!tpu.dma_semaphore, #tpu.memory_space<semaphore_mem>>) src(%dma_wait3A_94 : memref<253952x128xi32, #tpu.memory_space<hbm>>) dst(%dma_wait3A_88 : memref<128x128xi32, #tpu.memory_space<vmem>>)
    "tpu.region"() ({
      %run_scoped3A = tpu.sem_alloc : memref<!tpu.dma_semaphore, #tpu.memory_space<semaphore_mem>>
      %dma_start3A_95 = arith.constant 0 : i32
      %dma_start3A_96 = arith.constant 0 : i32
      %dma_start3A_97 = arith.constant 0 : i32
      %dma_start3A_98 = tpu.memref_slice %arg4[%add3A, %dma_start3A_95, %dma_start3A_96, %dma_start3A_97] : memref<32x4x128x128xi32, #tpu.memory_space<hbm>> -> memref<1x4x128x128xi32, #tpu.memory_space<hbm>>
      %dma_start3A_99 = tpu.memref_squeeze %dma_start3A_98 : memref<1x4x128x128xi32, #tpu.memory_space<hbm>> -> memref<4x128x128xi32, #tpu.memory_space<hbm>>
      %dma_start3A_100 = arith.constant 0 : i32
      %dma_start3A_101 = arith.constant 0 : i32
      %dma_start3A_102 = arith.constant 0 : i32
      %dma_start3A_103 = tpu.memref_slice %arg4[%add3A, %dma_start3A_100, %dma_start3A_101, %dma_start3A_102] : memref<32x4x128x128xi32, #tpu.memory_space<hbm>> -> memref<1x4x128x128xi32, #tpu.memory_space<hbm>>
      %dma_start3A_104 = tpu.memref_squeeze %dma_start3A_103 : memref<1x4x128x128xi32, #tpu.memory_space<hbm>> -> memref<4x128x128xi32, #tpu.memory_space<hbm>>
      tpu.enqueue_dma source(%arg6 : memref<4x128x128xi32, #tpu.memory_space<vmem>>) target(%dma_start3A_104 : memref<4x128x128xi32, #tpu.memory_space<hbm>>) target_semaphore(%run_scoped3A : memref<!tpu.dma_semaphore, #tpu.memory_space<semaphore_mem>>)
      %dma_wait3A_105 = arith.constant 0 : i32
      %dma_wait3A_106 = arith.constant 0 : i32
      %dma_wait3A_107 = arith.constant 0 : i32
      %dma_wait3A_108 = tpu.memref_slice %arg4[%add3A, %dma_wait3A_105, %dma_wait3A_106, %dma_wait3A_107] : memref<32x4x128x128xi32, #tpu.memory_space<hbm>> -> memref<1x4x128x128xi32, #tpu.memory_space<hbm>>
      %dma_wait3A_109 = tpu.memref_squeeze %dma_wait3A_108 : memref<1x4x128x128xi32, #tpu.memory_space<hbm>> -> memref<4x128x128xi32, #tpu.memory_space<hbm>>
      %dma_wait3A_110 = arith.constant 0 : i32
      %dma_wait3A_111 = arith.constant 0 : i32
      %dma_wait3A_112 = arith.constant 0 : i32
      %dma_wait3A_113 = tpu.memref_slice %arg4[%add3A, %dma_wait3A_110, %dma_wait3A_111, %dma_wait3A_112] : memref<32x4x128x128xi32, #tpu.memory_space<hbm>> -> memref<1x4x128x128xi32, #tpu.memory_space<hbm>>
      %dma_wait3A_114 = tpu.memref_squeeze %dma_wait3A_113 : memref<1x4x128x128xi32, #tpu.memory_space<hbm>> -> memref<4x128x128xi32, #tpu.memory_space<hbm>>
      tpu.wait_dma2 semaphore(%run_scoped3A : memref<!tpu.dma_semaphore, #tpu.memory_space<semaphore_mem>>) src(%arg6 : memref<4x128x128xi32, #tpu.memory_space<vmem>>) dst(%dma_wait3A_114 : memref<4x128x128xi32, #tpu.memory_space<hbm>>)
      tpu.yield
    }) : () -> ()
    return
  }
}

module attributes {stable_mosaic.version = 14 : i64} {
  func.func @_pack_body(%arg0: i32, %arg1: memref<64x32768xf32, #tpu.memory_space<vmem>>, %arg2: memref<64x64xf32, #tpu.memory_space<vmem>>, %arg3: memref<8192x128xi32, #tpu.memory_space<vmem>>) attributes {dimension_semantics = [#tpu.dimension_semantics<arbitrary>], iteration_bounds = array<i64: 31>, scalar_prefetch = 0 : i64, scratch_operands = 0 : i64, tpu.core_type = #tpu.core_type<tc>, window_params = [{transform_indices = @transform_0, window_bounds = array<i64: 64, 32768>}, {pipeline_mode = #tpu.pipeline_mode<synchronous>, transform_indices = @transform_1, window_bounds = array<i64: 64, 64>}, {transform_indices = @transform_2, window_bounds = array<i64: 8192, 128>}]} {
    %get3A = arith.constant 0 : index
    %get3A_0 = arith.constant 0 : index
    %get3A_1 = vector.load %arg2[%get3A, %get3A_0] : memref<64x64xf32, #tpu.memory_space<vmem>>, vector<64x64xf32>
    %convert_element_type3A = arith.truncf %get3A_1 : vector<64x64xf32> to vector<64x64xbf16>
    %get3A_2 = arith.constant 0 : index
    %get3A_3 = arith.constant 0 : index
    %get3A_4 = vector.load %arg1[%get3A_2, %get3A_3] : memref<64x32768xf32, #tpu.memory_space<vmem>>, vector<64x2048xf32>
    %convert_element_type3A_5 = arith.truncf %get3A_4 : vector<64x2048xf32> to vector<64x2048xbf16>
    %dot_general3A = arith.constant dense<0.000000e+00> : vector<2048x64xf32>
    %dot_general3A_6 = tpu.matmul %convert_element_type3A_5, %convert_element_type3A, %dot_general3A {dimension_numbers = #tpu.dot_dimension_numbers<[0], [0], [1], [1], [0, 1, 1, 1], [], []>, transpose_lhs_hint = false} : vector<64x2048xbf16>, vector<64x64xbf16>, vector<2048x64xf32> -> vector<2048x64xf32>
    %bitcast_convert_type3A = tpu.bitcast %dot_general3A_6 : vector<2048x64xf32> -> vector<2048x64xi32>
    %get3A_7 = arith.constant 0 : index
    %get3A_8 = arith.constant 8192 : index
    %get3A_9 = vector.load %arg1[%get3A_7, %get3A_8] : memref<64x32768xf32, #tpu.memory_space<vmem>>, vector<64x2048xf32>
    %convert_element_type3A_10 = arith.truncf %get3A_9 : vector<64x2048xf32> to vector<64x2048xbf16>
    %dot_general3A_11 = arith.constant dense<0.000000e+00> : vector<2048x64xf32>
    %dot_general3A_12 = tpu.matmul %convert_element_type3A_10, %convert_element_type3A, %dot_general3A_11 {dimension_numbers = #tpu.dot_dimension_numbers<[0], [0], [1], [1], [0, 1, 1, 1], [], []>, transpose_lhs_hint = false} : vector<64x2048xbf16>, vector<64x64xbf16>, vector<2048x64xf32> -> vector<2048x64xf32>
    %bitcast_convert_type3A_13 = tpu.bitcast %dot_general3A_12 : vector<2048x64xf32> -> vector<2048x64xi32>
    %get3A_14 = arith.constant 0 : index
    %get3A_15 = arith.constant 16384 : index
    %get3A_16 = vector.load %arg1[%get3A_14, %get3A_15] : memref<64x32768xf32, #tpu.memory_space<vmem>>, vector<64x2048xf32>
    %convert_element_type3A_17 = arith.truncf %get3A_16 : vector<64x2048xf32> to vector<64x2048xbf16>
    %dot_general3A_18 = arith.constant dense<0.000000e+00> : vector<2048x64xf32>
    %dot_general3A_19 = tpu.matmul %convert_element_type3A_17, %convert_element_type3A, %dot_general3A_18 {dimension_numbers = #tpu.dot_dimension_numbers<[0], [0], [1], [1], [0, 1, 1, 1], [], []>, transpose_lhs_hint = false} : vector<64x2048xbf16>, vector<64x64xbf16>, vector<2048x64xf32> -> vector<2048x64xf32>
    %bitcast_convert_type3A_20 = tpu.bitcast %dot_general3A_19 : vector<2048x64xf32> -> vector<2048x64xi32>
    %get3A_21 = arith.constant 0 : index
    %get3A_22 = arith.constant 24576 : index
    %get3A_23 = vector.load %arg1[%get3A_21, %get3A_22] : memref<64x32768xf32, #tpu.memory_space<vmem>>, vector<64x2048xf32>
    %convert_element_type3A_24 = arith.truncf %get3A_23 : vector<64x2048xf32> to vector<64x2048xbf16>
    %dot_general3A_25 = arith.constant dense<0.000000e+00> : vector<2048x64xf32>
    %dot_general3A_26 = tpu.matmul %convert_element_type3A_24, %convert_element_type3A, %dot_general3A_25 {dimension_numbers = #tpu.dot_dimension_numbers<[0], [0], [1], [1], [0, 1, 1, 1], [], []>, transpose_lhs_hint = false} : vector<64x2048xbf16>, vector<64x64xbf16>, vector<2048x64xf32> -> vector<2048x64xf32>
    %bitcast_convert_type3A_27 = tpu.bitcast %dot_general3A_26 : vector<2048x64xf32> -> vector<2048x64xi32>
    %shift_right_logical3A = arith.constant 16 : i32
    %shift_right_logical3A_28 = vector.broadcast %shift_right_logical3A : i32 to vector<2048x64xi32>
    %shift_right_logical3A_29 = arith.shrui %bitcast_convert_type3A, %shift_right_logical3A_28 : vector<2048x64xi32>
    %or3A = arith.ori %shift_right_logical3A_29, %bitcast_convert_type3A_13 : vector<2048x64xi32>
    %shift_right_logical3A_30 = arith.constant 16 : i32
    %shift_right_logical3A_31 = vector.broadcast %shift_right_logical3A_30 : i32 to vector<2048x64xi32>
    %shift_right_logical3A_32 = arith.shrui %bitcast_convert_type3A_20, %shift_right_logical3A_31 : vector<2048x64xi32>
    %or3A_33 = arith.ori %shift_right_logical3A_32, %bitcast_convert_type3A_27 : vector<2048x64xi32>
    %concatenate3A = tpu.concatenate %or3A, %or3A_33 in 1 : vector<2048x64xi32>, vector<2048x64xi32> -> vector<2048x128xi32>
    %swap3A = arith.constant 0 : index
    %swap3A_34 = arith.constant 0 : index
    %swap3A_35 = vector.load %arg3[%swap3A, %swap3A_34] : memref<8192x128xi32, #tpu.memory_space<vmem>>, vector<2048x128xi32>
    tpu.vector_store %arg3[%swap3A, %swap3A_34], %concatenate3A {strides = array<i32>} : memref<8192x128xi32, #tpu.memory_space<vmem>>, vector<2048x128xi32>,
    %get3A_36 = arith.constant 0 : index
    %get3A_37 = arith.constant 2048 : index
    %get3A_38 = vector.load %arg1[%get3A_36, %get3A_37] : memref<64x32768xf32, #tpu.memory_space<vmem>>, vector<64x2048xf32>
    %convert_element_type3A_39 = arith.truncf %get3A_38 : vector<64x2048xf32> to vector<64x2048xbf16>
    %dot_general3A_40 = arith.constant dense<0.000000e+00> : vector<2048x64xf32>
    %dot_general3A_41 = tpu.matmul %convert_element_type3A_39, %convert_element_type3A, %dot_general3A_40 {dimension_numbers = #tpu.dot_dimension_numbers<[0], [0], [1], [1], [0, 1, 1, 1], [], []>, transpose_lhs_hint = false} : vector<64x2048xbf16>, vector<64x64xbf16>, vector<2048x64xf32> -> vector<2048x64xf32>
    %bitcast_convert_type3A_42 = tpu.bitcast %dot_general3A_41 : vector<2048x64xf32> -> vector<2048x64xi32>
    %get3A_43 = arith.constant 0 : index
    %get3A_44 = arith.constant 10240 : index
    %get3A_45 = vector.load %arg1[%get3A_43, %get3A_44] : memref<64x32768xf32, #tpu.memory_space<vmem>>, vector<64x2048xf32>
    %convert_element_type3A_46 = arith.truncf %get3A_45 : vector<64x2048xf32> to vector<64x2048xbf16>
    %dot_general3A_47 = arith.constant dense<0.000000e+00> : vector<2048x64xf32>
    %dot_general3A_48 = tpu.matmul %convert_element_type3A_46, %convert_element_type3A, %dot_general3A_47 {dimension_numbers = #tpu.dot_dimension_numbers<[0], [0], [1], [1], [0, 1, 1, 1], [], []>, transpose_lhs_hint = false} : vector<64x2048xbf16>, vector<64x64xbf16>, vector<2048x64xf32> -> vector<2048x64xf32>
    %bitcast_convert_type3A_49 = tpu.bitcast %dot_general3A_48 : vector<2048x64xf32> -> vector<2048x64xi32>
    %get3A_50 = arith.constant 0 : index
    %get3A_51 = arith.constant 18432 : index
    %get3A_52 = vector.load %arg1[%get3A_50, %get3A_51] : memref<64x32768xf32, #tpu.memory_space<vmem>>, vector<64x2048xf32>
    %convert_element_type3A_53 = arith.truncf %get3A_52 : vector<64x2048xf32> to vector<64x2048xbf16>
    %dot_general3A_54 = arith.constant dense<0.000000e+00> : vector<2048x64xf32>
    %dot_general3A_55 = tpu.matmul %convert_element_type3A_53, %convert_element_type3A, %dot_general3A_54 {dimension_numbers = #tpu.dot_dimension_numbers<[0], [0], [1], [1], [0, 1, 1, 1], [], []>, transpose_lhs_hint = false} : vector<64x2048xbf16>, vector<64x64xbf16>, vector<2048x64xf32> -> vector<2048x64xf32>
    %bitcast_convert_type3A_56 = tpu.bitcast %dot_general3A_55 : vector<2048x64xf32> -> vector<2048x64xi32>
    %get3A_57 = arith.constant 0 : index
    %get3A_58 = arith.constant 26624 : index
    %get3A_59 = vector.load %arg1[%get3A_57, %get3A_58] : memref<64x32768xf32, #tpu.memory_space<vmem>>, vector<64x2048xf32>
    %convert_element_type3A_60 = arith.truncf %get3A_59 : vector<64x2048xf32> to vector<64x2048xbf16>
    %dot_general3A_61 = arith.constant dense<0.000000e+00> : vector<2048x64xf32>
    %dot_general3A_62 = tpu.matmul %convert_element_type3A_60, %convert_element_type3A, %dot_general3A_61 {dimension_numbers = #tpu.dot_dimension_numbers<[0], [0], [1], [1], [0, 1, 1, 1], [], []>, transpose_lhs_hint = false} : vector<64x2048xbf16>, vector<64x64xbf16>, vector<2048x64xf32> -> vector<2048x64xf32>
    %bitcast_convert_type3A_63 = tpu.bitcast %dot_general3A_62 : vector<2048x64xf32> -> vector<2048x64xi32>
    %shift_right_logical3A_64 = arith.constant 16 : i32
    %shift_right_logical3A_65 = vector.broadcast %shift_right_logical3A_64 : i32 to vector<2048x64xi32>
    %shift_right_logical3A_66 = arith.shrui %bitcast_convert_type3A_42, %shift_right_logical3A_65 : vector<2048x64xi32>
    %or3A_67 = arith.ori %shift_right_logical3A_66, %bitcast_convert_type3A_49 : vector<2048x64xi32>
    %shift_right_logical3A_68 = arith.constant 16 : i32
    %shift_right_logical3A_69 = vector.broadcast %shift_right_logical3A_68 : i32 to vector<2048x64xi32>
    %shift_right_logical3A_70 = arith.shrui %bitcast_convert_type3A_56, %shift_right_logical3A_69 : vector<2048x64xi32>
    %or3A_71 = arith.ori %shift_right_logical3A_70, %bitcast_convert_type3A_63 : vector<2048x64xi32>
    %concatenate3A_72 = tpu.concatenate %or3A_67, %or3A_71 in 1 : vector<2048x64xi32>, vector<2048x64xi32> -> vector<2048x128xi32>
    %swap3A_73 = arith.constant 2048 : index
    %swap3A_74 = arith.constant 0 : index
    %swap3A_75 = vector.load %arg3[%swap3A_73, %swap3A_74] : memref<8192x128xi32, #tpu.memory_space<vmem>>, vector<2048x128xi32>
    tpu.vector_store %arg3[%swap3A_73, %swap3A_74], %concatenate3A_72 {strides = array<i32>} : memref<8192x128xi32, #tpu.memory_space<vmem>>, vector<2048x128xi32>,
    %get3A_76 = arith.constant 0 : index
    %get3A_77 = arith.constant 4096 : index
    %get3A_78 = vector.load %arg1[%get3A_76, %get3A_77] : memref<64x32768xf32, #tpu.memory_space<vmem>>, vector<64x2048xf32>
    %convert_element_type3A_79 = arith.truncf %get3A_78 : vector<64x2048xf32> to vector<64x2048xbf16>
    %dot_general3A_80 = arith.constant dense<0.000000e+00> : vector<2048x64xf32>
    %dot_general3A_81 = tpu.matmul %convert_element_type3A_79, %convert_element_type3A, %dot_general3A_80 {dimension_numbers = #tpu.dot_dimension_numbers<[0], [0], [1], [1], [0, 1, 1, 1], [], []>, transpose_lhs_hint = false} : vector<64x2048xbf16>, vector<64x64xbf16>, vector<2048x64xf32> -> vector<2048x64xf32>
    %bitcast_convert_type3A_82 = tpu.bitcast %dot_general3A_81 : vector<2048x64xf32> -> vector<2048x64xi32>
    %get3A_83 = arith.constant 0 : index
    %get3A_84 = arith.constant 12288 : index
    %get3A_85 = vector.load %arg1[%get3A_83, %get3A_84] : memref<64x32768xf32, #tpu.memory_space<vmem>>, vector<64x2048xf32>
    %convert_element_type3A_86 = arith.truncf %get3A_85 : vector<64x2048xf32> to vector<64x2048xbf16>
    %dot_general3A_87 = arith.constant dense<0.000000e+00> : vector<2048x64xf32>
    %dot_general3A_88 = tpu.matmul %convert_element_type3A_86, %convert_element_type3A, %dot_general3A_87 {dimension_numbers = #tpu.dot_dimension_numbers<[0], [0], [1], [1], [0, 1, 1, 1], [], []>, transpose_lhs_hint = false} : vector<64x2048xbf16>, vector<64x64xbf16>, vector<2048x64xf32> -> vector<2048x64xf32>
    %bitcast_convert_type3A_89 = tpu.bitcast %dot_general3A_88 : vector<2048x64xf32> -> vector<2048x64xi32>
    %get3A_90 = arith.constant 0 : index
    %get3A_91 = arith.constant 20480 : index
    %get3A_92 = vector.load %arg1[%get3A_90, %get3A_91] : memref<64x32768xf32, #tpu.memory_space<vmem>>, vector<64x2048xf32>
    %convert_element_type3A_93 = arith.truncf %get3A_92 : vector<64x2048xf32> to vector<64x2048xbf16>
    %dot_general3A_94 = arith.constant dense<0.000000e+00> : vector<2048x64xf32>
    %dot_general3A_95 = tpu.matmul %convert_element_type3A_93, %convert_element_type3A, %dot_general3A_94 {dimension_numbers = #tpu.dot_dimension_numbers<[0], [0], [1], [1], [0, 1, 1, 1], [], []>, transpose_lhs_hint = false} : vector<64x2048xbf16>, vector<64x64xbf16>, vector<2048x64xf32> -> vector<2048x64xf32>
    %bitcast_convert_type3A_96 = tpu.bitcast %dot_general3A_95 : vector<2048x64xf32> -> vector<2048x64xi32>
    %get3A_97 = arith.constant 0 : index
    %get3A_98 = arith.constant 28672 : index
    %get3A_99 = vector.load %arg1[%get3A_97, %get3A_98] : memref<64x32768xf32, #tpu.memory_space<vmem>>, vector<64x2048xf32>
    %convert_element_type3A_100 = arith.truncf %get3A_99 : vector<64x2048xf32> to vector<64x2048xbf16>
    %dot_general3A_101 = arith.constant dense<0.000000e+00> : vector<2048x64xf32>
    %dot_general3A_102 = tpu.matmul %convert_element_type3A_100, %convert_element_type3A, %dot_general3A_101 {dimension_numbers = #tpu.dot_dimension_numbers<[0], [0], [1], [1], [0, 1, 1, 1], [], []>, transpose_lhs_hint = false} : vector<64x2048xbf16>, vector<64x64xbf16>, vector<2048x64xf32> -> vector<2048x64xf32>
    %bitcast_convert_type3A_103 = tpu.bitcast %dot_general3A_102 : vector<2048x64xf32> -> vector<2048x64xi32>
    %shift_right_logical3A_104 = arith.constant 16 : i32
    %shift_right_logical3A_105 = vector.broadcast %shift_right_logical3A_104 : i32 to vector<2048x64xi32>
    %shift_right_logical3A_106 = arith.shrui %bitcast_convert_type3A_82, %shift_right_logical3A_105 : vector<2048x64xi32>
    %or3A_107 = arith.ori %shift_right_logical3A_106, %bitcast_convert_type3A_89 : vector<2048x64xi32>
    %shift_right_logical3A_108 = arith.constant 16 : i32
    %shift_right_logical3A_109 = vector.broadcast %shift_right_logical3A_108 : i32 to vector<2048x64xi32>
    %shift_right_logical3A_110 = arith.shrui %bitcast_convert_type3A_96, %shift_right_logical3A_109 : vector<2048x64xi32>
    %or3A_111 = arith.ori %shift_right_logical3A_110, %bitcast_convert_type3A_103 : vector<2048x64xi32>
    %concatenate3A_112 = tpu.concatenate %or3A_107, %or3A_111 in 1 : vector<2048x64xi32>, vector<2048x64xi32> -> vector<2048x128xi32>
    %swap3A_113 = arith.constant 4096 : index
    %swap3A_114 = arith.constant 0 : index
    %swap3A_115 = vector.load %arg3[%swap3A_113, %swap3A_114] : memref<8192x128xi32, #tpu.memory_space<vmem>>, vector<2048x128xi32>
    tpu.vector_store %arg3[%swap3A_113, %swap3A_114], %concatenate3A_112 {strides = array<i32>} : memref<8192x128xi32, #tpu.memory_space<vmem>>, vector<2048x128xi32>,
    %get3A_116 = arith.constant 0 : index
    %get3A_117 = arith.constant 6144 : index
    %get3A_118 = vector.load %arg1[%get3A_116, %get3A_117] : memref<64x32768xf32, #tpu.memory_space<vmem>>, vector<64x2048xf32>
    %convert_element_type3A_119 = arith.truncf %get3A_118 : vector<64x2048xf32> to vector<64x2048xbf16>
    %dot_general3A_120 = arith.constant dense<0.000000e+00> : vector<2048x64xf32>
    %dot_general3A_121 = tpu.matmul %convert_element_type3A_119, %convert_element_type3A, %dot_general3A_120 {dimension_numbers = #tpu.dot_dimension_numbers<[0], [0], [1], [1], [0, 1, 1, 1], [], []>, transpose_lhs_hint = false} : vector<64x2048xbf16>, vector<64x64xbf16>, vector<2048x64xf32> -> vector<2048x64xf32>
    %bitcast_convert_type3A_122 = tpu.bitcast %dot_general3A_121 : vector<2048x64xf32> -> vector<2048x64xi32>
    %get3A_123 = arith.constant 0 : index
    %get3A_124 = arith.constant 14336 : index
    %get3A_125 = vector.load %arg1[%get3A_123, %get3A_124] : memref<64x32768xf32, #tpu.memory_space<vmem>>, vector<64x2048xf32>
    %convert_element_type3A_126 = arith.truncf %get3A_125 : vector<64x2048xf32> to vector<64x2048xbf16>
    %dot_general3A_127 = arith.constant dense<0.000000e+00> : vector<2048x64xf32>
    %dot_general3A_128 = tpu.matmul %convert_element_type3A_126, %convert_element_type3A, %dot_general3A_127 {dimension_numbers = #tpu.dot_dimension_numbers<[0], [0], [1], [1], [0, 1, 1, 1], [], []>, transpose_lhs_hint = false} : vector<64x2048xbf16>, vector<64x64xbf16>, vector<2048x64xf32> -> vector<2048x64xf32>
    %bitcast_convert_type3A_129 = tpu.bitcast %dot_general3A_128 : vector<2048x64xf32> -> vector<2048x64xi32>
    %get3A_130 = arith.constant 0 : index
    %get3A_131 = arith.constant 22528 : index
    %get3A_132 = vector.load %arg1[%get3A_130, %get3A_131] : memref<64x32768xf32, #tpu.memory_space<vmem>>, vector<64x2048xf32>
    %convert_element_type3A_133 = arith.truncf %get3A_132 : vector<64x2048xf32> to vector<64x2048xbf16>
    %dot_general3A_134 = arith.constant dense<0.000000e+00> : vector<2048x64xf32>
    %dot_general3A_135 = tpu.matmul %convert_element_type3A_133, %convert_element_type3A, %dot_general3A_134 {dimension_numbers = #tpu.dot_dimension_numbers<[0], [0], [1], [1], [0, 1, 1, 1], [], []>, transpose_lhs_hint = false} : vector<64x2048xbf16>, vector<64x64xbf16>, vector<2048x64xf32> -> vector<2048x64xf32>
    %bitcast_convert_type3A_136 = tpu.bitcast %dot_general3A_135 : vector<2048x64xf32> -> vector<2048x64xi32>
    %get3A_137 = arith.constant 0 : index
    %get3A_138 = arith.constant 30720 : index
    %get3A_139 = vector.load %arg1[%get3A_137, %get3A_138] : memref<64x32768xf32, #tpu.memory_space<vmem>>, vector<64x2048xf32>
    %convert_element_type3A_140 = arith.truncf %get3A_139 : vector<64x2048xf32> to vector<64x2048xbf16>
    %dot_general3A_141 = arith.constant dense<0.000000e+00> : vector<2048x64xf32>
    %dot_general3A_142 = tpu.matmul %convert_element_type3A_140, %convert_element_type3A, %dot_general3A_141 {dimension_numbers = #tpu.dot_dimension_numbers<[0], [0], [1], [1], [0, 1, 1, 1], [], []>, transpose_lhs_hint = false} : vector<64x2048xbf16>, vector<64x64xbf16>, vector<2048x64xf32> -> vector<2048x64xf32>
    %bitcast_convert_type3A_143 = tpu.bitcast %dot_general3A_142 : vector<2048x64xf32> -> vector<2048x64xi32>
    %shift_right_logical3A_144 = arith.constant 16 : i32
    %shift_right_logical3A_145 = vector.broadcast %shift_right_logical3A_144 : i32 to vector<2048x64xi32>
    %shift_right_logical3A_146 = arith.shrui %bitcast_convert_type3A_122, %shift_right_logical3A_145 : vector<2048x64xi32>
    %or3A_147 = arith.ori %shift_right_logical3A_146, %bitcast_convert_type3A_129 : vector<2048x64xi32>
    %shift_right_logical3A_148 = arith.constant 16 : i32
    %shift_right_logical3A_149 = vector.broadcast %shift_right_logical3A_148 : i32 to vector<2048x64xi32>
    %shift_right_logical3A_150 = arith.shrui %bitcast_convert_type3A_136, %shift_right_logical3A_149 : vector<2048x64xi32>
    %or3A_151 = arith.ori %shift_right_logical3A_150, %bitcast_convert_type3A_143 : vector<2048x64xi32>
    %concatenate3A_152 = tpu.concatenate %or3A_147, %or3A_151 in 1 : vector<2048x64xi32>, vector<2048x64xi32> -> vector<2048x128xi32>
    %swap3A_153 = arith.constant 6144 : index
    %swap3A_154 = arith.constant 0 : index
    %swap3A_155 = vector.load %arg3[%swap3A_153, %swap3A_154] : memref<8192x128xi32, #tpu.memory_space<vmem>>, vector<2048x128xi32>
    tpu.vector_store %arg3[%swap3A_153, %swap3A_154], %concatenate3A_152 {strides = array<i32>} : memref<8192x128xi32, #tpu.memory_space<vmem>>, vector<2048x128xi32>,
    return
  }
  func.func @transform_0(%arg0: i32) -> (i32, i32) {
    %c0_i32 = arith.constant 0 : i32
    %c0_i32_0 = arith.constant 0 : i32
    return %c0_i32, %arg0 : i32, i32
  }
  func.func @transform_1(%arg0: i32) -> (i32, i32) {
    %c0_i32 = arith.constant 0 : i32
    %c0_i32_0 = arith.constant 0 : i32
    %c0_i32_1 = arith.constant 0 : i32
    return %c0_i32, %c0_i32_0 : i32, i32
  }
  func.func @transform_2(%arg0: i32) -> (i32, i32) {
    %c0_i32 = arith.constant 0 : i32
    %c0_i32_0 = arith.constant 0 : i32
    return %arg0, %c0_i32 : i32, i32
  }
}

module attributes {stable_mosaic.version = 14 : i64} {
  func.func @_tc_mlp_body(%arg0: i32, %arg1: memref<2048x128xi32, #tpu.memory_space<vmem>>, %arg2: memref<2048x1xi32, #tpu.memory_space<vmem>>, %arg3: memref<2048x1xi32, #tpu.memory_space<vmem>>, %arg4: memref<2048x1xi32, #tpu.memory_space<vmem>>, %arg5: memref<128x64xf32, #tpu.memory_space<vmem>>, %arg6: memref<32x64xf32, #tpu.memory_space<vmem>>, %arg7: memref<8x64xf32, #tpu.memory_space<vmem>>, %arg8: memref<1x64xf32, #tpu.memory_space<vmem>>, %arg9: memref<64x64xf32, #tpu.memory_space<vmem>>, %arg10: memref<1x64xf32, #tpu.memory_space<vmem>>, %arg11: memref<2048x64xf32, #tpu.memory_space<vmem>>) attributes {dimension_semantics = [#tpu.dimension_semantics<arbitrary>], iteration_bounds = array<i64: 8>, scalar_prefetch = 0 : i64, scratch_operands = 0 : i64, tpu.core_type = #tpu.core_type<tc>, window_params = [{transform_indices = @transform_0, window_bounds = array<i64: 2048, 128>}, {transform_indices = @transform_1, window_bounds = array<i64: 2048, 1>}, {transform_indices = @transform_2, window_bounds = array<i64: 2048, 1>}, {transform_indices = @transform_3, window_bounds = array<i64: 2048, 1>}, {pipeline_mode = #tpu.pipeline_mode<synchronous>, transform_indices = @transform_4, window_bounds = array<i64: 128, 64>}, {pipeline_mode = #tpu.pipeline_mode<synchronous>, transform_indices = @transform_5, window_bounds = array<i64: 32, 64>}, {pipeline_mode = #tpu.pipeline_mode<synchronous>, transform_indices = @transform_6, window_bounds = array<i64: 8, 64>}, {pipeline_mode = #tpu.pipeline_mode<synchronous>, transform_indices = @transform_7, window_bounds = array<i64: 1, 64>}, {pipeline_mode = #tpu.pipeline_mode<synchronous>, transform_indices = @transform_8, window_bounds = array<i64: 64, 64>}, {pipeline_mode = #tpu.pipeline_mode<synchronous>, transform_indices = @transform_9, window_bounds = array<i64: 1, 64>}, {transform_indices = @transform_10, window_bounds = array<i64: 2048, 64>}]} {
    %get3A = arith.constant 0 : index
    %get3A_0 = arith.constant 0 : index
    %get3A_1 = vector.load %arg1[%get3A, %get3A_0] : memref<2048x128xi32, #tpu.memory_space<vmem>>, vector<2048x128xi32>
    %get3A_2 = arith.constant 0 : index
    %get3A_3 = arith.constant 0 : index
    %get3A_4 = vector.load %arg2[%get3A_2, %get3A_3] : memref<2048x1xi32, #tpu.memory_space<vmem>>, vector<2048x1xi32>
    %get3A_5 = arith.constant 0 : index
    %get3A_6 = arith.constant 0 : index
    %get3A_7 = vector.load %arg3[%get3A_5, %get3A_6] : memref<2048x1xi32, #tpu.memory_space<vmem>>, vector<2048x1xi32>
    %get3A_8 = arith.constant 0 : index
    %get3A_9 = arith.constant 0 : index
    %get3A_10 = vector.load %arg4[%get3A_8, %get3A_9] : memref<2048x1xi32, #tpu.memory_space<vmem>>, vector<2048x1xi32>
    %shift_left3A = arith.constant 16 : i32
    %shift_left3A_11 = vector.broadcast %shift_left3A : i32 to vector<2048x128xi32>
    %shift_left3A_12 = arith.shli %get3A_1, %shift_left3A_11 : vector<2048x128xi32>
    %bitcast_convert_type3A = tpu.bitcast %shift_left3A_12 : vector<2048x128xi32> -> vector<2048x128xf32>
    %and3A = arith.constant -65536 : i32
    %and3A_13 = vector.broadcast %and3A : i32 to vector<2048x128xi32>
    %and3A_14 = arith.andi %get3A_1, %and3A_13 : vector<2048x128xi32>
    %bitcast_convert_type3A_15 = tpu.bitcast %and3A_14 : vector<2048x128xi32> -> vector<2048x128xf32>
    %and3A_16 = arith.constant 1 : i32
    %and3A_17 = vector.broadcast %and3A_16 : i32 to vector<2048x1xi32>
    %and3A_18 = arith.andi %get3A_4, %and3A_17 : vector<2048x1xi32>
    %eq3A = arith.constant 1 : i32
    %eq3A_19 = vector.broadcast %eq3A : i32 to vector<2048x1xi32>
    %eq3A_20 = arith.cmpi eq, %and3A_18, %eq3A_19 : vector<2048x1xi32>
    %broadcast_in_dim3A = vector.shape_cast %eq3A_20 : vector<2048x1xi1> to vector<2048x1xi1>
    %broadcast_in_dim3A_21 = vector.broadcast %broadcast_in_dim3A : vector<2048x1xi1> to vector<2048x128xi1>
    %select_n3A = arith.select %broadcast_in_dim3A_21, %bitcast_convert_type3A_15, %bitcast_convert_type3A : vector<2048x128xi1>, vector<2048x128xf32>
    %shift_right_arithmetic3A = arith.constant 1 : i32
    %shift_right_arithmetic3A_22 = vector.broadcast %shift_right_arithmetic3A : i32 to vector<2048x1xi32>
    %shift_right_arithmetic3A_23 = arith.shrsi %get3A_4, %shift_right_arithmetic3A_22 : vector<2048x1xi32>
    %iota3A = tpu.iota {dimensions = array<i32: 1>} : vector<2048x128xi32>
    %ge3A = arith.constant 64 : i32
    %ge3A_24 = vector.broadcast %ge3A : i32 to vector<2048x128xi32>
    %ge3A_25 = arith.cmpi sge, %iota3A, %ge3A_24 : vector<2048x128xi32>
    %convert_element_type3A = arith.extui %ge3A_25 : vector<2048x128xi1> to vector<2048x128xi32>
    %eq3A_26 = vector.broadcast %shift_right_arithmetic3A_23 : vector<2048x1xi32> to vector<2048x128xi32>
    %eq3A_27 = arith.cmpi eq, %convert_element_type3A, %eq3A_26 : vector<2048x128xi32>
    %convert_element_type3A_28 = arith.extui %eq3A_27 : vector<2048x128xi1> to vector<2048x128xi32>
    %convert_element_type3A_29 = arith.sitofp %convert_element_type3A_28 : vector<2048x128xi32> to vector<2048x128xf32>
    %iota3A_30 = tpu.iota {dimensions = array<i32: 1>} : vector<2048x32xi32>
    %eq3A_31 = vector.broadcast %get3A_7 : vector<2048x1xi32> to vector<2048x32xi32>
    %eq3A_32 = arith.cmpi eq, %eq3A_31, %iota3A_30 : vector<2048x32xi32>
    %convert_element_type3A_33 = arith.extui %eq3A_32 : vector<2048x32xi1> to vector<2048x32xi32>
    %convert_element_type3A_34 = arith.sitofp %convert_element_type3A_33 : vector<2048x32xi32> to vector<2048x32xf32>
    %iota3A_35 = tpu.iota {dimensions = array<i32: 1>} : vector<2048x8xi32>
    %eq3A_36 = vector.broadcast %get3A_10 : vector<2048x1xi32> to vector<2048x8xi32>
    %eq3A_37 = arith.cmpi eq, %eq3A_36, %iota3A_35 : vector<2048x8xi32>
    %convert_element_type3A_38 = arith.extui %eq3A_37 : vector<2048x8xi1> to vector<2048x8xi32>
    %convert_element_type3A_39 = arith.sitofp %convert_element_type3A_38 : vector<2048x8xi32> to vector<2048x8xf32>
    %mul3A = arith.mulf %select_n3A, %convert_element_type3A_29 : vector<2048x128xf32>
    %get3A_40 = arith.constant 0 : index
    %get3A_41 = arith.constant 0 : index
    %get3A_42 = vector.load %arg5[%get3A_40, %get3A_41] : memref<128x64xf32, #tpu.memory_space<vmem>>, vector<128x64xf32>
    %dot_general3A = arith.constant dense<0.000000e+00> : vector<2048x64xf32>
    %dot_general3A_43 = tpu.matmul %mul3A, %get3A_42, %dot_general3A {dimension_numbers = #tpu.dot_dimension_numbers<[1], [0], [0], [1], [0, 0, 1, 1], [], []>, transpose_lhs_hint = false} : vector<2048x128xf32>, vector<128x64xf32>, vector<2048x64xf32> -> vector<2048x64xf32>
    %get3A_44 = arith.constant 0 : index
    %get3A_45 = arith.constant 0 : index
    %get3A_46 = vector.load %arg6[%get3A_44, %get3A_45] : memref<32x64xf32, #tpu.memory_space<vmem>>, vector<32x64xf32>
    %dot_general3A_47 = arith.constant dense<0.000000e+00> : vector<2048x64xf32>
    %dot_general3A_48 = tpu.matmul %convert_element_type3A_34, %get3A_46, %dot_general3A_47 {dimension_numbers = #tpu.dot_dimension_numbers<[1], [0], [0], [1], [0, 0, 1, 1], [], []>, transpose_lhs_hint = false} : vector<2048x32xf32>, vector<32x64xf32>, vector<2048x64xf32> -> vector<2048x64xf32>
    %add3A = arith.addf %dot_general3A_43, %dot_general3A_48 : vector<2048x64xf32>
    %get3A_49 = arith.constant 0 : index
    %get3A_50 = arith.constant 0 : index
    %get3A_51 = vector.load %arg7[%get3A_49, %get3A_50] : memref<8x64xf32, #tpu.memory_space<vmem>>, vector<8x64xf32>
    %dot_general3A_52 = arith.constant dense<0.000000e+00> : vector<2048x64xf32>
    %dot_general3A_53 = tpu.matmul %convert_element_type3A_39, %get3A_51, %dot_general3A_52 {dimension_numbers = #tpu.dot_dimension_numbers<[1], [0], [0], [1], [0, 0, 1, 1], [], []>, transpose_lhs_hint = false} : vector<2048x8xf32>, vector<8x64xf32>, vector<2048x64xf32> -> vector<2048x64xf32>
    %add3A_54 = arith.addf %add3A, %dot_general3A_53 : vector<2048x64xf32>
    %get3A_55 = arith.constant 0 : index
    %get3A_56 = arith.constant 0 : index
    %get3A_57 = vector.load %arg8[%get3A_55, %get3A_56] : memref<1x64xf32, #tpu.memory_space<vmem>>, vector<1x64xf32>
    %add3A_58 = vector.broadcast %get3A_57 : vector<1x64xf32> to vector<2048x64xf32>
    %add3A_59 = arith.addf %add3A_54, %add3A_58 : vector<2048x64xf32>
    %max3A = arith.constant 0.000000e+00 : f32
    %max3A_60 = vector.broadcast %max3A : f32 to vector<2048x64xf32>
    %max3A_61 = arith.maximumf %add3A_59, %max3A_60 : vector<2048x64xf32>
    %get3A_62 = arith.constant 0 : index
    %get3A_63 = arith.constant 0 : index
    %get3A_64 = vector.load %arg9[%get3A_62, %get3A_63] : memref<64x64xf32, #tpu.memory_space<vmem>>, vector<64x64xf32>
    %dot_general3A_65 = arith.constant dense<0.000000e+00> : vector<2048x64xf32>
    %dot_general3A_66 = tpu.matmul %max3A_61, %get3A_64, %dot_general3A_65 {dimension_numbers = #tpu.dot_dimension_numbers<[1], [0], [0], [1], [0, 0, 1, 1], [], []>, transpose_lhs_hint = false} : vector<2048x64xf32>, vector<64x64xf32>, vector<2048x64xf32> -> vector<2048x64xf32>
    %get3A_67 = arith.constant 0 : index
    %get3A_68 = arith.constant 0 : index
    %get3A_69 = vector.load %arg10[%get3A_67, %get3A_68] : memref<1x64xf32, #tpu.memory_space<vmem>>, vector<1x64xf32>
    %add3A_70 = vector.broadcast %get3A_69 : vector<1x64xf32> to vector<2048x64xf32>
    %add3A_71 = arith.addf %dot_general3A_66, %add3A_70 : vector<2048x64xf32>
    %swap3A = arith.constant 0 : index
    %swap3A_72 = arith.constant 0 : index
    %swap3A_73 = vector.load %arg11[%swap3A, %swap3A_72] : memref<2048x64xf32, #tpu.memory_space<vmem>>, vector<2048x64xf32>
    tpu.vector_store %arg11[%swap3A, %swap3A_72], %add3A_71 {strides = array<i32>} : memref<2048x64xf32, #tpu.memory_space<vmem>>, vector<2048x64xf32>,
    return
  }
  func.func @transform_0(%arg0: i32) -> (i32, i32) {
    %c0_i32 = arith.constant 0 : i32
    %c0_i32_0 = arith.constant 0 : i32
    return %arg0, %c0_i32 : i32, i32
  }
  func.func @transform_1(%arg0: i32) -> (i32, i32) {
    %c0_i32 = arith.constant 0 : i32
    %c0_i32_0 = arith.constant 0 : i32
    return %arg0, %c0_i32 : i32, i32
  }
  func.func @transform_2(%arg0: i32) -> (i32, i32) {
    %c0_i32 = arith.constant 0 : i32
    %c0_i32_0 = arith.constant 0 : i32
    return %arg0, %c0_i32 : i32, i32
  }
  func.func @transform_3(%arg0: i32) -> (i32, i32) {
    %c0_i32 = arith.constant 0 : i32
    %c0_i32_0 = arith.constant 0 : i32
    return %arg0, %c0_i32 : i32, i32
  }
  func.func @transform_4(%arg0: i32) -> (i32, i32) {
    %c0_i32 = arith.constant 0 : i32
    %c0_i32_0 = arith.constant 0 : i32
    %c0_i32_1 = arith.constant 0 : i32
    return %c0_i32, %c0_i32_0 : i32, i32
  }
  func.func @transform_5(%arg0: i32) -> (i32, i32) {
    %c0_i32 = arith.constant 0 : i32
    %c0_i32_0 = arith.constant 0 : i32
    %c0_i32_1 = arith.constant 0 : i32
    return %c0_i32, %c0_i32_0 : i32, i32
  }
  func.func @transform_6(%arg0: i32) -> (i32, i32) {
    %c0_i32 = arith.constant 0 : i32
    %c0_i32_0 = arith.constant 0 : i32
    %c0_i32_1 = arith.constant 0 : i32
    return %c0_i32, %c0_i32_0 : i32, i32
  }
  func.func @transform_7(%arg0: i32) -> (i32, i32) {
    %c0_i32 = arith.constant 0 : i32
    %c0_i32_0 = arith.constant 0 : i32
    %c0_i32_1 = arith.constant 0 : i32
    return %c0_i32, %c0_i32_0 : i32, i32
  }
  func.func @transform_8(%arg0: i32) -> (i32, i32) {
    %c0_i32 = arith.constant 0 : i32
    %c0_i32_0 = arith.constant 0 : i32
    %c0_i32_1 = arith.constant 0 : i32
    return %c0_i32, %c0_i32_0 : i32, i32
  }
  func.func @transform_9(%arg0: i32) -> (i32, i32) {
    %c0_i32 = arith.constant 0 : i32
    %c0_i32_0 = arith.constant 0 : i32
    %c0_i32_1 = arith.constant 0 : i32
    return %c0_i32, %c0_i32_0 : i32, i32
  }
  func.func @transform_10(%arg0: i32) -> (i32, i32) {
    %c0_i32 = arith.constant 0 : i32
    %c0_i32_0 = arith.constant 0 : i32
    return %arg0, %c0_i32 : i32, i32
  }
}

</mosaic_0001>

<sc_bundles>
// kernel: kernel.5.cloned.1.call-start
scs
__scs_entry_jumppad:
0x0: {  	(pc) =	sbr.rel $0x88, $3  }
0x1: {  	(tag) =	ssettag $0x0;
	lr =	simm.s32 $0x1  }
0x2: {  	[smem:$0x3F99] =	sst lr;
	_ =	strace $0xD0000000  }
0x3: {  	_ = 	snop  }
0x4: {  	_ = 	snop  }
0x5: {  	_ = 	snop  }
0x6: {  	_ = 	snop  }
0x7: {  	_ = 	snop  }
__scs_overlays_trampoline_lowered:
0x8: {  	[smem:$0x3FA8] =	sst s0  }
0x9: {  	[smem:$0x3FA9] =	sst s1  }
0xa: {  	[smem:$0x3FAA] =	sst s2  }
0xb: {  	[smem:$0x3FAB] =	sst s3  }
0xc: {  	[smem:$0x3FAC] =	sst s4  }
0xd: {  	[smem:$0x3FAD] =	sst s5  }
0xe: {  	[smem:$0x3FAE] =	sst s6  }
0xf: {  	[smem:$0x3FAF] =	sst s7  }
0x10: {  	[smem:$0x3FB0] =	sst s8  }
0x11: {  	[smem:$0x3FB1] =	sst s9;
	s0 =	simm.s32 @!p0 $0x0  }
0x12: {  	s1 =	sld [smem:$0x3F97];
	s0 =	simm.s32 @p0 $0x1  }
0x13: {  	[smem:$0x3FB2] =	sst s0;
	s0 =	simm.s32 @!p1 $0x0  }
0x14: {  	s2 =	sld [smem:$0x3F96];
	s0 =	simm.s32 @p1 $0x1  }
0x15: {  	[smem:$0x3FB3] =	sst s0;
	s0 =	simm.s32 @!p2 $0x0  }
0x16: {  	s3 =	sld [smem:$0x3FDB];
	s0 =	simm.s32 @p2 $0x1  }
0x17: {  	s4 =	simm.s32 $0x1BF5;
	[smem:$0x3FB5] =	sst s0  }
0x18: {  	s0 =	sld [smem:$0x3F98];
	_ =	swait.ge [sflag:s4], $0x0  }
0x19: {  	s7 =	sld [smem:$0x3F99]  }
0x1a: {  	s8 =	sadd.s32 $0xFFFFE003, lr  }
0x1b: {  	s9 =	sadd.s32 $0xFFFFFEF7, lr;
	s5 =	simm.s32 $0xFFFFFFFF;
	p2 =	slt.u32 s8, $0xFFFFF086  }
0x1c: {  	p1 =	slt.u32 s9, $0xF7A;
	s5 =	simm.s32 @!p2 $0x0  }
0x1d: {  	s5 =	simm.s32 @p1 $0x1;
	p0 =	seq.s32 s7, s2  }
0x1e: {  	s7 =	smul.u32 @!p0 $0xF7A, s2;
	p2 =	seq.s32 @!p0 s5, $0x0  }
0x1f: {  	s9 =	smul.u32 $0xF7A, s1;
	s8 =	simm.s32 @!p0 $0x1BF5;
	p2 =	por !p2, p0  }
0x20: {  	[sflag:s8] =	ssyncset.s32 @!p0 $0xFFFFF086;
	s6 =	sadd.s32 @!p0 s3, s7;
	s7 =	simm.s32 @!p0 $0x108  }
0x21: {  	s3 =	sadd.s32 s3, s9;
	s6 =	sadd.s32 @!p0 $0x88, s6;
	s7 =	simm.s32 @p2 $0x1082  }
0x22: {  	[simem:s7], [sflag:s8] =	dma.local @!p0 [hbm:s6], $0xF7A  }
0x23: {  	s9 =	sor.u32 $0xD0000000, s2;
	s6 =	simm.s32 $0x108;
	_ =	swait.ge @!p0 [sflag:s8], $0x0  }
0x24: {  	s3 =	sadd.s32 $0x88, s3;
	s6 =	simm.s32 @!p1 $0x1082;
	[sflag:s4] =	ssyncset.s32 $0xFFFFF086  }
0x25: {  	[simem:s6], [sflag:s4] =	dma.local [hbm:s3], $0xF7A  }
0x26: {  	[smem:$0x3F99] =	sst s1;
	(tag) =	ssettag s2;
	_ =	strace s9  }
0x27: {  	s1 =	sld [smem:$0x3FA9]  }
0x28: {  	s2 =	sld [smem:$0x3FAA]  }
0x29: {  	s4 =	sld [smem:$0x3FAC]  }
0x2a: {  	p0 =	seq.s32 s5, $0x0;
	s5 =	sld [smem:$0x3FAD]  }
0x2b: {  	s6 =	sld [smem:$0x3FAE]  }
0x2c: {  	s7 =	sld [smem:$0x3FAF]  }
0x2d: {  	s3 =	simm.s32 $0x108;
	s8 =	sld [smem:$0x3FB0]  }
0x2e: {  	s3 =	simm.s32 @!p0 $0x1082;
	s9 =	sld [smem:$0x3FB1]  }
0x2f: {  	lr =	sadd.s32 s0, s3;
	s0 =	sld [smem:$0x3FA8]  }
0x30: {  	s3 =	sld [smem:$0x3FAB]  }
0x31: {  	[smem:$0x3FB4] =	sst s10  }
0x32: {  	s10 =	sld [smem:$0x3FB2];
	_ =	sdelay $0x3  }
0x33: {  	p0 =	seq.s32 s10, $0x1;
	s10 =	sld [smem:$0x3FB4];
	_ =	sdelay $0x3  }
0x34: {  	[smem:$0x3FB4] =	sst s10  }
0x35: {  	s10 =	sld [smem:$0x3FB3];
	_ =	sdelay $0x3  }
0x36: {  	p1 =	seq.s32 s10, $0x1;
	s10 =	sld [smem:$0x3FB4];
	_ =	sdelay $0x3  }
0x37: {  	[smem:$0x3FB4] =	sst s10  }
0x38: {  	s10 =	sld [smem:$0x3FB5]  }
0x39: {  	_ = 	snop;
	(pc) =	sbr.ind lr, $3  }
0x3a: {  	_ = 	snop  }
0x3b: {  	_ = 	snop  }
0x3c: {  	p2 =	seq.s32 s10, $0x1;
	s10 =	sld [smem:$0x3FB4]  }
0x3d: {  	_ =	shalt  }
0x3e: {  	_ =	shalt  }
0x3f: {  	_ =	shalt  }
0x40: {  	_ =	shalt  }
0x41: {  	_ =	shalt  }
0x42: {  	_ =	shalt  }
0x43: {  	_ =	shalt  }
0x44: {  	_ =	shalt  }
0x45: {  	_ =	shalt  }
0x46: {  	_ =	shalt  }
0x47: {  	_ =	shalt  }
0x48: {  	_ =	shalt  }
0x49: {  	_ =	shalt  }
0x4a: {  	_ =	shalt  }
0x4b: {  	_ =	shalt  }
0x4c: {  	_ =	shalt  }
0x4d: {  	_ =	shalt  }
0x4e: {  	_ =	shalt  }
0x4f: {  	_ =	shalt  }
0x50: {  	_ =	shalt  }
0x51: {  	_ =	shalt  }
0x52: {  	_ =	shalt  }
0x53: {  	_ =	shalt  }
0x54: {  	_ =	shalt  }
0x55: {  	_ =	shalt  }
0x56: {  	_ =	shalt  }
0x57: {  	_ =	shalt  }
0x58: {  	_ =	shalt  }
0x59: {  	_ =	shalt  }
0x5a: {  	_ =	shalt  }
0x5b: {  	_ =	shalt  }
0x5c: {  	_ =	shalt  }
0x5d: {  	_ =	shalt  }
0x5e: {  	_ =	shalt  }
0x5f: {  	_ =	shalt  }
0x60: {  	_ =	shalt  }
0x61: {  	_ =	shalt  }
0x62: {  	_ =	shalt  }
0x63: {  	_ =	shalt  }
0x64: {  	_ =	shalt  }
0x65: {  	_ =	shalt  }
0x66: {  	_ =	shalt  }
0x67: {  	_ =	shalt  }
0x68: {  	_ =	shalt  }
0x69: {  	_ =	shalt  }
0x6a: {  	_ =	shalt  }
0x6b: {  	_ =	shalt  }
0x6c: {  	_ =	shalt  }
0x6d: {  	_ =	shalt  }
0x6e: {  	_ =	shalt  }
0x6f: {  	_ =	shalt  }
0x70: {  	_ =	shalt  }
0x71: {  	_ =	shalt  }
0x72: {  	_ =	shalt  }
0x73: {  	_ =	shalt  }
0x74: {  	_ =	shalt  }
0x75: {  	_ =	shalt  }
0x76: {  	_ =	shalt  }
0x77: {  	_ =	shalt  }
0x78: {  	_ =	shalt  }
0x79: {  	_ =	shalt  }
0x7a: {  	_ =	shalt  }
0x7b: {  	_ =	shalt  }
0x7c: {  	_ =	shalt  }
0x7d: {  	_ =	shalt  }
0x7e: {  	_ =	shalt  }
0x7f: {  	_ =	shalt  }
0x80: {  	_ =	shalt  }
0x81: {  	_ =	shalt  }
0x82: {  	_ =	shalt  }
0x83: {  	_ =	shalt  }
0x84: {  	_ =	shalt  }
0x85: {  	_ =	shalt  }
0x86: {  	_ =	shalt  }
0x87: {  	_ =	shalt  }
.Lfunc_end0:
.L_simem_size_0:
called_computation_lowered:
.L_overlay_start_0:
0x88: {  	s2 =	sld [smem:$0x3FD9]  }
0x89: {  	s3 =	sld [smem:$0x3FFE];
	_ =	sdelay $0x1  }
0x8a: {  	s1 =	srdreg.scid  }
0x8b: {  	s0 =	sand.u32 $0x1, s1  }
0x8c: {  	s16 =	sshll.u32 s0, $0xA;
	s2 =	sadd.s32 s3, s2  }
0x8d: {  	s2 =	sadd.s32 s2, s16  }
0x8e: {  	[smem:$0x3FC0] =	sst s2  }
0x8f: {  	_ = 	snop  }
0x90: {  	(tm) =	ssettm $0x1  }
0x91: {  	s17 =	sld [smem:$0x3FFB];
	_ =	sdelay $0x3  }
0x92: {  	_ =	strace s17  }
0x93: {  	s2 =	sld [smem:$0x3FFC];
	_ =	sdelay $0x3  }
0x94: {  	_ =	strace s2  }
0x95: {  	s2 =	sld [smem:$0x3FFD];
	_ =	sdelay $0x3  }
0x96: {  	_ =	strace s2  }
0x97: {  	_ =	strace $0x8FFFFFFF  }
0x98: {  	s18 =	sld [smem:$0x3FDB];
	_ =	sdelay $0x1  }
0x99: {  	s19 =	simm.s32 $_scs_section_size  }
0x9a: {  	s4 =	simm.s32 $_size__tile_overlayer_lowered;
	s5 =	simm.s32 $_tile_overlayer_lowered  }
0x9b: {  	s22 =	simm.s32 $0x1BFF;
	s21 =	sshll.u32 s5, $0x1;
	s2 =	sadd.s32 s19, s18  }
0x9c: {  	s6 =	simm.s32 $0x0;
	s20 =	sshll.u32 s4, $0x1;
	s4 =	sadd.s32 s21, s2  }
0x9d: {  	[timem:s6], [sflag:s22] =	dma.local [hbm:s4], s20  }
0x9e: {  	_ =	swait.ge [sflag:s22], s20  }
0x9f: {  	s3 =	ssub.s32 $0x0, s20;
	[sflag:s22] =	ssyncset.done $0x0  }
0xa0: {  	[sflag:s22] =	ssyncadd.s32 s3;
	_ =	sdelay $0x1  }
0xa1: {  	s23 =	simm.s32 $0x1B8B  }
0xa2: {  	_ =	swait.ge [sflag:s23], $0x1  }
0xa3: {  	[sflag:s23] =	ssyncset.done $0x0  }
0xa4: {  	s25 =	simm.s32 $0x1B8E;
	s24 =	sld [smem:$0x3FFE];
	[sflag:s23] =	ssyncadd.s32 $0xFFFFFFFF  }
0xa5: {  	s26 =	simm.s32 $execute0_lowered;
	[smem:$0x3FD2] =	sst s25  }
0xa6: {  	s4 =	sshll.u32 s26, $0x1;
	_ =	strace $0x80000046;
	[dreg:$0x1] =	wrdreg $0xFFFFFFFF  }
0xa7: {  	s28 =	simm.s32 $_size_execute0_lowered;
	s2 =	sadd.s32 s2, s4;
	[dreg:$0x0] =	wrdreg $0x0  }
0xa8: {  	s4 =	sshll.u32 s28, $0x1;
	[dreg:$0x2] =	wrdreg s2  }
0xa9: {  	[dreg:$0x3] =	wrdreg s4  }
0xaa: {  	[dreg:$0x4] =	wrdreg $0xC0  }
0xab: {  	_ =	task [dreg:s6], $0x5FFFF  }
0xac: {  	[dreg:$0x1] =	wrdreg $0xFFFFFFFF  }
0xad: {  	[dreg:$0x0] =	wrdreg $0x60  }
0xae: {  	[dreg:$0x2] =	wrdreg s24  }
0xaf: {  	[dreg:$0x3] =	wrdreg $0x9  }
0xb0: {  	_ =	task.clear_ibuf [dreg:s6], $0x4FFFF;
	_ =	strace $0x90000046  }
0xb1: {  	s29 =	simm.s32 $0x9;
	_ =	strace $0x80000048  }
0xb2: {  	_ =	swait.ge [sflag:s29], $0x1  }
0xb3: {  	[sflag:s29] =	ssyncadd.s32 $0xFFFFFFFF  }
0xb4: {  	_ =	strace $0x90000048  }
0xb5: {  	_ =	sfence  }
0xb6: {  	s30 =	sld [smem:$0x0];
	_ =	sdelay $0x2  }
0xb7: {  	s31 =	sshll.u32 s1, $0xD;
	s1 =	sshrl.u32 s1, $0x2  }
0xb8: {  	s3 =	sand.u32 $0x4000, s31;
	s1 =	sadd.s32 s1, s30  }
0xb9: {  	s0 =	sor.u32 s3, s0;
	s1 =	sshll.u32 s1, $0x11  }
0xba: {  	s0 =	sor.u32 s1, s0  }
0xbb: {  	s0 =	sadd.s32 $0x8F2B, s0  }
0xbc: {  	[sflag:s0] =	ssyncadd.remote.s32 $0x1  }
0xbd: {  	_ =	sfence.sel $0xFFFF  }
0xbe: {  	[dreg:$0x0] =	wrdreg $0xFFFFFFFF;
	(pc) =	sbr.abs _section_cstart, $3  }
0xbf: {  	[dreg:$0x1] =	wrdreg $0xFFFFFFFF  }
0xc0: {  	_ =	task.clear_ibuf [dreg:s6], $0x2FFFF;
	_ =	strace $0x9FFFFFFF  }
0xc1: {  	(tm) =	ssettm $0x7FFFFFFF  }
tec
execute0_lowered:
.L_overlay_start_1:
0x0: {  	(tag) =	ssettag $0x1  }
0x1: {  	s1 =	srdreg.scid;
	s0 =	stileid.u32  }
0x2: {  	s14 =	sand.u32 $0x1, s1;
	s29 =	sshll.u32 s0, $0x1  }
0x3: {  	s15 =	rddreg [dreg:$0x0];
	s16 =	sor.u32 s14, s29  }
0x4: {  	s2 =	simm.s32 $0x0;
	s1 =	rddreg [dreg:$0x1];
	s3 =	sshll.u32 s16, $0x6  }
0x5: {  	[smem:$0x7FF] =	sst s2;
	s3 =	sadd.s32 s3, s15  }
0x6: {  	_ =	strace $0x80000047;
	s4 =	sadd.s32 $0x1600, s3;
	s3 =	simm.s32 $0x2  }
0x7: {  	[tilespmem:s2], [sflag:$0x2] =	stream.linear.gather [hbm4b:s4+s2], $0x200, $0x38;
	[tilespmem:$0x10200] =	vst v63  }
0x8: {  	_ =	swait.ge [sflag:s3], $0x200  }
0x9: {  	s6 =	simm.s32 $0x80;
	[sflag:s3] =	ssyncset.done $0x0  }
0xa: {  	s7 =	simm.s32 $0x200;
	s5 =	sadd.s32 $0x1E00, s15;
	[sflag:s3] =	ssyncadd.s32 $0xFFFFFE00  }
0xb: {  	[tilespmem:s7], [sflag:$0x1] =	stream.indirect.gather [hbm4b:s5+s6], $0x80, s2, s6, $0xb8;
	[tilespmem:$0x10200] =	vst v63  }
0xc: {  	s8 =	simm.s32 $0x4200  }
0xd: {  	[tilespmem:s8], [sflag:$0x1] =	stream.indirect.gather [hbm4b:s5+s6], $0x80, s6, s6, $0xb8;
	[tilespmem:$0x10200] =	vst v63  }
0xe: {  	s9 =	simm.s32 $0x100;
	s10 =	simm.s32 $0x8200  }
0xf: {  	[tilespmem:s10], [sflag:$0x1] =	stream.indirect.gather [hbm4b:s5+s6], $0x80, s9, s6, $0xb8;
	[tilespmem:$0x10200] =	vst v63  }
0x10: {  	s11 =	simm.s32 $0x180;
	s12 =	simm.s32 $0xC200;
	s13 =	simm.s32 $0x1  }
0x11: {  	[tilespmem:s12], [sflag:$0x1] =	stream.indirect.gather [hbm4b:s5+s6], $0x80, s11, s6, $0xb8;
	[tilespmem:$0x10200] =	vst v63  }
0x12: {  	_ =	swait.ge [sflag:s13], $0x4000  }
0x13: {  	[sflag:s13] =	ssyncset.done $0x0  }
0x14: {  	[sflag:s13] =	ssyncadd.s32 $0xFFFFC000  }
0x15: {  	_ =	swait.ge [sflag:s13], $0x4000  }
0x16: {  	[sflag:s13] =	ssyncset.done $0x0  }
0x17: {  	s14 =	ssub.s32 $0x2, s14;
	[sflag:s13] =	ssyncadd.s32 $0xFFFFC000  }
0x18: {  	s17 =	sshrl.u32 s14, $0x1;
	_ =	swait.ge [sflag:s13], $0x4000  }
0x19: {  	s30 =	ssub.s32 s14, s17;
	[sflag:s13] =	ssyncset.done $0x0  }
0x1a: {  	s31 =	smax.u32 s30, $0x1;
	[sflag:s13] =	ssyncadd.s32 $0xFFFFC000  }
0x1b: {  	s16 =	sshll.u32 s16, $0xD;
	p0 =	sne.s32 s31, $0x1;
	_ =	swait.ge [sflag:s13], $0x4000  }
.Ltmp0:
0x1c: {  	s15 =	sadd.s32 s16, s15;
	[sflag:s13] =	ssyncset.done $0x0;
	(pc) =	sbr.rel @!p0 .LBB2_2-.Ltmp0, $4  }
0x1d: {  	s14 =	sadd.s32 $0x3E1E00, s15;
	[sflag:s13] =	ssyncadd.s32 $0xFFFFC000  }
0x1e: {  	[hbm4b:s14+s2] =	stream.linear.scatter [tilespmem:s7], [sflag:$0x2], $0x10000, $0x38;
	[tilespmem:$0x10200] =	vst v63  }
0x1f: {  	_ =	swait.ge [sflag:s3], $0x10000  }
0x20: {  	s15 =	sadd.s32 $0xFFFFFFFF, s31;
	[sflag:s3] =	ssyncset.done $0x0  }
.LBB2_1:
0x21: {  	p0 =	sne.s32 s15, $0x1;
	s15 =	sadd.s32 $0xFFFFFFFF, s15;
	[sflag:s3] =	ssyncadd.s32 $0xFFFF0000  }
0x22: {  	[tilespmem:s2], [sflag:$0x2] =	stream.linear.gather [hbm4b:s4+s2], $0x200, $0x38;
	[tilespmem:$0x10200] =	vst v63  }
0x23: {  	_ =	swait.ge [sflag:s3], $0x200  }
0x24: {  	[sflag:s3] =	ssyncset.done $0x0  }
0x25: {  	[sflag:s3] =	ssyncadd.s32 $0xFFFFFE00  }
0x26: {  	[tilespmem:s7], [sflag:$0x1] =	stream.indirect.gather [hbm4b:s5+s6], $0x80, s2, s6, $0xb8;
	[tilespmem:$0x10200] =	vst v63  }
0x27: {  	_ = 	snop  }
0x28: {  	[tilespmem:s8], [sflag:$0x1] =	stream.indirect.gather [hbm4b:s5+s6], $0x80, s6, s6, $0xb8;
	[tilespmem:$0x10200] =	vst v63  }
0x29: {  	_ = 	snop  }
0x2a: {  	[tilespmem:s10], [sflag:$0x1] =	stream.indirect.gather [hbm4b:s5+s6], $0x80, s9, s6, $0xb8;
	[tilespmem:$0x10200] =	vst v63  }
0x2b: {  	_ = 	snop  }
0x2c: {  	[tilespmem:s12], [sflag:$0x1] =	stream.indirect.gather [hbm4b:s5+s6], $0x80, s11, s6, $0xb8;
	[tilespmem:$0x10200] =	vst v63  }
0x2d: {  	_ =	swait.ge [sflag:s13], $0x4000  }
0x2e: {  	[sflag:s13] =	ssyncset.done $0x0  }
0x2f: {  	[sflag:s13] =	ssyncadd.s32 $0xFFFFC000  }
0x30: {  	_ =	swait.ge [sflag:s13], $0x4000  }
0x31: {  	[sflag:s13] =	ssyncset.done $0x0  }
0x32: {  	[sflag:s13] =	ssyncadd.s32 $0xFFFFC000  }
0x33: {  	_ =	swait.ge [sflag:s13], $0x4000  }
0x34: {  	[sflag:s13] =	ssyncset.done $0x0  }
0x35: {  	[sflag:s13] =	ssyncadd.s32 $0xFFFFC000  }
0x36: {  	_ =	swait.ge [sflag:s13], $0x4000  }
.Ltmp1:
0x37: {  	[sflag:s13] =	ssyncset.done $0x0;
	(pc) =	sbr.rel @p0 .LBB2_1-.Ltmp1, $4  }
0x38: {  	[sflag:s13] =	ssyncadd.s32 $0xFFFFC000  }
0x39: {  	[hbm4b:s14+s2] =	stream.linear.scatter [tilespmem:s7], [sflag:$0x2], $0x10000, $0x38;
	[tilespmem:$0x10200] =	vst v63  }
0x3a: {  	_ =	swait.ge [sflag:s3], $0x10000  }
0x3b: {  	[sflag:s3] =	ssyncset.done $0x0  }
.LBB2_2:
0x3c: {  	[sflag:s3] =	ssyncadd.s32 $0xFFFF0000  }
0x3d: {  	_ =	sfence.sel $0x180000  }
0x3e: {  	[bflag:$0x0] =	sbarrier.arrive $0xFFFF  }
0x3f: {  	p0 =	sne.s32 s0, $0x0;
	_ =	strace $0x90000047  }
0x40: {  	s0 =	sadd.s32 @!p0 $0x100000, s1;
	[bflag:$0x2] =	sbarrier.arrive $0xFFFF  }
0x41: {  	[sflag:s0] =	ssyncadd.tile.s32 @!p0 $0x1;
	_ =	shalt  }
.Lfunc_end2:
_tile_overlayer_lowered:
.L_overlay_start_2:
0x42: {  	(tag) =	ssettag $0x2  }
0x43: {  	s0 =	rddreg [dreg:$0x0];
	s2 =	stileid.u32  }
0x44: {  	s1 =	rddreg [dreg:$0x1];
	p0 =	sne.s32 s2, $0x0  }
0x45: {  	s3 =	rddreg [dreg:$0x2];
	[bflag:$0x3] =	sbarrier.arrive $0xFFFF;
	s2 =	simm.s32 @!p0 $0x1C02  }
0x46: {  	[timem:s3], [sflag:s2] =	dma.local @!p0 [hbm:s0], s1  }
0x47: {  	s0 =	simm.s32 @!p0 $0x2  }
0x48: {  	_ =	swait.ge @!p0 [sflag:s0], s1  }
0x49: {  	s1 =	ssub.s32 @!p0 $0x0, s1;
	[sflag:s0] =	ssyncset.done @!p0 $0x0  }
0x4a: {  	[sflag:s0] =	ssyncadd.s32 @!p0 s1  }
0x4b: {  	[bflag:$0x3] =	sbarrier.arrive $0xFFFF  }
0x4c: {  	_ =	shalt  }

</sc_bundles>
